<compile_context>
chip_gen: v7x
topology: tpu7x:2x2x1
jax: 0.10.2.dev20260603
libtpu: 0.0.44.dev20260713+nightly
codegen_flags: <defaults>
</compile_context>

<pallas_src>
import functools

import jax
import jax.numpy as jnp
from jax import lax
from jax.experimental import pallas as pl
from jax.experimental.pallas import tpu as pltpu
from jax.experimental.pallas import tpu_sc as plsc

N = 10000
E = 320000
D = 128
NW = 32
EPW = E // NW
NP = 10240
BR = 1024


@functools.cache
def _make_sc_mask():
    mesh = plsc.VectorSubcoreMesh(core_axis_name="c", subcore_axis_name="s")

    @functools.partial(
        pl.kernel,
        mesh=mesh,
        out_type=jax.ShapeDtypeStruct((NW * NP,), jnp.int32),
        scratch_types=[
            pltpu.VMEM((EPW,), jnp.int32),
            pltpu.VMEM((NP,), jnp.int32),
        ],
        compiler_params=pltpu.CompilerParams(needs_layout_passes=False),
    )
    def _sc_mask(dst_hbm, out_hbm, idx_v, mask_v):
        wid = lax.axis_index("s") * 2 + lax.axis_index("c")
        base = wid * EPW
        pltpu.sync_copy(dst_hbm.at[pl.ds(base, EPW)], idx_v)

        def init_body(i, carry):
            mask_v[pl.ds(i * 16, 16)] = jnp.full((16,), -1, jnp.int32)
            return carry

        lax.fori_loop(0, NP // 16, init_body, 0)

        def scat_body(i, carry):
            ids = idx_v[pl.ds(i * 16, 16)]
            plsc.store_scatter(mask_v, [ids], ids)
            return carry

        lax.fori_loop(0, EPW // 16, scat_body, 0)
        pltpu.sync_copy(mask_v, out_hbm.at[pl.ds(wid * NP, NP)])

    return _sc_mask


def _tc_body(x_ref, w_ref, b_ref, m_ref, o_ref):
    j = pl.program_id(0)
    v = jnp.dot(x_ref[...], w_ref[...], preferred_element_type=jnp.float32)
    v = v + b_ref[...]
    ids = jax.lax.broadcasted_iota(jnp.int32, (NW, BR), 1) + j * BR
    hit = (m_ref[...] == ids).astype(jnp.float32)
    ones = jnp.ones((NW, 1), jnp.float32)
    cnt = lax.dot_general(hit, ones, (((0,), (0,)), ((), ())),
                          preferred_element_type=jnp.float32)
    scale = jnp.where(cnt > 0.0, 1.0, 0.5)
    o_ref[...] = v * scale


def kernel(x, edge_index, W_l, b_l, W_r, b_r, attn_l, attn_r):
    dst = edge_index[1]
    mask = _make_sc_mask()(dst).reshape(NW, NP)
    b2 = b_r.reshape(1, D)
    x_p = jnp.pad(x, ((0, NP - N), (0, 0)))
    out = pl.pallas_call(
        _tc_body,
        grid=(NP // BR,),
        in_specs=[
            pl.BlockSpec((BR, D), lambda j: (j, 0)),
            pl.BlockSpec((D, D), lambda j: (0, 0)),
            pl.BlockSpec((1, D), lambda j: (0, 0)),
            pl.BlockSpec((NW, BR), lambda j: (0, j)),
        ],
        out_specs=pl.BlockSpec((BR, D), lambda j: (j, 0)),
        out_shape=jax.ShapeDtypeStruct((NP, D), jnp.float32),
    )(x_p, W_r, b2, mask)
    return out[:N]

# --- scband reference (transcript-rebuilt; emitter-appended) ---
"""Pipeline reference for scband-latte-22436909154351 (READ-ONLY COPY).

The authoritative reference and input builder live on the scoring server;
editing this copy changes nothing except your own understanding.
"""

import jax, jax.numpy as jnp
import numpy as np

N = 10000
E = 320000
D = 128
H = 4
DH = D // H


def setup_inputs(seed: int = 0) -> dict:
    key = jax.random.key(seed)
    ks = jax.random.split(key, 8)
    x = jax.random.normal(ks[0], (N, D), dtype=jnp.float32)
    edge_index = jax.random.randint(ks[1], (2, E), 0, N, dtype=jnp.int32)
    W_l = jax.random.normal(ks[2], (D, D), dtype=jnp.float32) * 0.05
    b_l = jnp.zeros((D,), dtype=jnp.float32)
    W_r = jax.random.normal(ks[3], (D, D), dtype=jnp.float32) * 0.05
    b_r = jnp.zeros((D,), dtype=jnp.float32)
    attn_l = jax.random.normal(ks[4], (H, DH), dtype=jnp.float32) * 0.1
    attn_r = jax.random.normal(ks[5], (H, DH), dtype=jnp.float32) * 0.1
    return {"x": x, "edge_index": edge_index, "W_l": W_l, "b_l": b_l,
            "W_r": W_r, "b_r": b_r, "attn_l": attn_l, "attn_r": attn_r}


def reference(x, edge_index, W_l, b_l, W_r, b_r, attn_l, attn_r):
    # Single node-type ('paper'), single metapath ('cites') instantiation of
    # LATTEConv.forward. k = linear_l(x), v = linear_r(x); per-edge attention
    # att = <k[src], attn_l> + <v[dst], attn_r>; softmax per destination node
    # (DGL reduce over mailbox); message carries edges.dst['v'] as in
    # edge_attention; final out = mean(stack([h_etype, v], dim=1), dim=1).
    src = edge_index[0]
    dst = edge_index[1]
    k = (x @ W_l + b_l).reshape(N, H, DH)
    v = (x @ W_r + b_r).reshape(N, H, DH)
    att_l = (k[src] * attn_l[None, :, :]).sum(axis=-1)  # [E, H]
    att_r = (v[dst] * attn_r[None, :, :]).sum(axis=-1)  # [E, H]
    att = att_l + att_r
    # segment softmax over incoming edges of each dst node
    att_max = jax.ops.segment_max(att, dst, num_segments=N)
    att_max = jnp.where(jnp.isfinite(att_max), att_max, 0.0)
    att_exp = jnp.exp(att - att_max[dst])
    denom = jax.ops.segment_sum(att_exp, dst, num_segments=N)
    denom_e = denom[dst]
    alpha = att_exp / jnp.where(denom_e == 0, 1.0, denom_e)
    # message is dst's 'v' (faithful to edge_attention returning edges.dst['v'])
    msg = alpha[:, :, None] * v[dst]
    h = jax.ops.segment_sum(msg, dst, num_segments=N).reshape(N, D)
    v_flat = v.reshape(N, D)
    out = (h + v_flat) / 2.0  # mean over stacked [h_etype, v]
    return out

if __name__ == "__main__":
    import jax
    _d = setup_inputs()
    print(jax.jit(kernel)(*tuple(_d.values())))

</pallas_src>

<mosaic_0001>
#map = affine_map<(d0, d1) -> (0)>
module attributes {stable_mosaic.version = 14 : i64} {
  func.func @_sc_mask(%arg0: i32, %arg1: i32, %arg2: memref<320000xi32, #tpu.memory_space<hbm>>, %arg3: memref<327680xi32, #tpu.memory_space<hbm>>, %arg4: memref<10000xi32, #tpu.memory_space<vmem>>, %arg5: memref<10240xi32, #tpu.memory_space<vmem>>) attributes {dimension_semantics = [#tpu.dimension_semantics<core_parallel>, #tpu.dimension_semantics<subcore_parallel>], iteration_bounds = array<i64: 2, 16>, scalar_prefetch = 0 : i64, scratch_operands = 2 : i64, tpu.core_type = #tpu.core_type<sc_vector_subcore>, window_params = [{transform_indices = #map}, {transform_indices = #map}]} {
    %mul3A = arith.constant 2 : i32
    %mul3A_0 = arith.muli %arg1, %mul3A : i32
    %add3A = arith.addi %mul3A_0, %arg0 : i32
    %mul3A_1 = arith.constant 10000 : i32
    %mul3A_2 = arith.muli %add3A, %mul3A_1 : i32
    "tpu.region"() ({
      %run_scoped3A = tpu.sem_alloc : memref<!tpu.dma_semaphore, #tpu.memory_space<semaphore_mem>>
      %dma_start3A = tpu.memref_slice %arg2[%mul3A_2] : memref<320000xi32, #tpu.memory_space<hbm>> -> memref<10000xi32, #tpu.memory_space<hbm>>
      %dma_start3A_16 = tpu.memref_slice %arg2[%mul3A_2] : memref<320000xi32, #tpu.memory_space<hbm>> -> memref<10000xi32, #tpu.memory_space<hbm>>
      tpu.enqueue_dma source(%dma_start3A_16 : memref<10000xi32, #tpu.memory_space<hbm>>) target(%arg4 : memref<10000xi32, #tpu.memory_space<vmem>>) target_semaphore(%run_scoped3A : memref<!tpu.dma_semaphore, #tpu.memory_space<semaphore_mem>>)
      %dma_wait3A = tpu.memref_slice %arg2[%mul3A_2] : memref<320000xi32, #tpu.memory_space<hbm>> -> memref<10000xi32, #tpu.memory_space<hbm>>
      %dma_wait3A_17 = tpu.memref_slice %arg2[%mul3A_2] : memref<320000xi32, #tpu.memory_space<hbm>> -> memref<10000xi32, #tpu.memory_space<hbm>>
      tpu.wait_dma2 semaphore(%run_scoped3A : memref<!tpu.dma_semaphore, #tpu.memory_space<semaphore_mem>>) src(%dma_wait3A_17 : memref<10000xi32, #tpu.memory_space<hbm>>) dst(%arg4 : memref<10000xi32, #tpu.memory_space<vmem>>)
      tpu.yield
    }) : () -> ()
    %scan3A = arith.constant 0 : i32
    %scan3A_3 = arith.constant 0 : i32
    %scan3A_4 = arith.constant 640 : i32
    %scan3A_5 = arith.addi %scan3A_3, %scan3A_4 : i32
    %scan3A_6 = arith.constant 1 : i32
    scf.for %scan3A_16 = %scan3A_3 to %scan3A_5 step %scan3A_6  : i32 {
      %broadcast_in_dim3A = arith.constant -1 : i32
      %broadcast_in_dim3A_17 = vector.broadcast %broadcast_in_dim3A : i32 to vector<16xi32>
      %mul3A_18 = arith.constant 16 : i32
      %mul3A_19 = arith.muli %scan3A_16, %mul3A_18 : i32
      %swap3A = arith.index_cast %mul3A_19 : i32 to index
      %swap3A_20 = tpu.vector_load %arg5[%swap3A] {strides = array<i32>} : memref<10240xi32, #tpu.memory_space<vmem>>, vector<16xi32>,
      tpu.vector_store %arg5[%swap3A], %broadcast_in_dim3A_17 {strides = array<i32>} : memref<10240xi32, #tpu.memory_space<vmem>>, vector<16xi32>,
    }
    %scan3A_7 = arith.constant 640 : i32
    %scan3A_8 = arith.constant 0 : i32
    %scan3A_9 = arith.constant 0 : i32
    %scan3A_10 = arith.constant 625 : i32
    %scan3A_11 = arith.addi %scan3A_9, %scan3A_10 : i32
    %scan3A_12 = arith.constant 1 : i32
    scf.for %scan3A_16 = %scan3A_9 to %scan3A_11 step %scan3A_12  : i32 {
      %mul3A_17 = arith.constant 16 : i32
      %mul3A_18 = arith.muli %scan3A_16, %mul3A_17 : i32
      %get3A = arith.index_cast %mul3A_18 : i32 to index
      %get3A_19 = tpu.vector_load %arg4[%get3A] {strides = array<i32>} : memref<10000xi32, #tpu.memory_space<vmem>>, vector<16xi32>,
      tpu.vector_store_idx %arg5[%get3A_19], %get3A_19 : memref<10240xi32, #tpu.memory_space<vmem>>[vector<16xi32>], vector<16xi32>,
    }
    %scan3A_13 = arith.constant 625 : i32
    %mul3A_14 = arith.constant 10240 : i32
    %mul3A_15 = arith.muli %add3A, %mul3A_14 : i32
    "tpu.region"() ({
      %run_scoped3A = tpu.sem_alloc : memref<!tpu.dma_semaphore, #tpu.memory_space<semaphore_mem>>
      %dma_start3A = tpu.memref_slice %arg3[%mul3A_15] : memref<327680xi32, #tpu.memory_space<hbm>> -> memref<10240xi32, #tpu.memory_space<hbm>>
      %dma_start3A_16 = tpu.memref_slice %arg3[%mul3A_15] : memref<327680xi32, #tpu.memory_space<hbm>> -> memref<10240xi32, #tpu.memory_space<hbm>>
      tpu.enqueue_dma source(%arg5 : memref<10240xi32, #tpu.memory_space<vmem>>) target(%dma_start3A_16 : memref<10240xi32, #tpu.memory_space<hbm>>) target_semaphore(%run_scoped3A : memref<!tpu.dma_semaphore, #tpu.memory_space<semaphore_mem>>)
      %dma_wait3A = tpu.memref_slice %arg3[%mul3A_15] : memref<327680xi32, #tpu.memory_space<hbm>> -> memref<10240xi32, #tpu.memory_space<hbm>>
      %dma_wait3A_17 = tpu.memref_slice %arg3[%mul3A_15] : memref<327680xi32, #tpu.memory_space<hbm>> -> memref<10240xi32, #tpu.memory_space<hbm>>
      tpu.wait_dma2 semaphore(%run_scoped3A : memref<!tpu.dma_semaphore, #tpu.memory_space<semaphore_mem>>) src(%arg5 : memref<10240xi32, #tpu.memory_space<vmem>>) dst(%dma_wait3A_17 : memref<10240xi32, #tpu.memory_space<hbm>>)
      tpu.yield
    }) : () -> ()
    return
  }
}

module attributes {stable_mosaic.version = 14 : i64} {
  func.func @_tc_body(%arg0: i32, %arg1: memref<1024x128xf32, #tpu.memory_space<vmem>>, %arg2: memref<128x128xf32, #tpu.memory_space<vmem>>, %arg3: memref<1x128xf32, #tpu.memory_space<vmem>>, %arg4: memref<32x1024xi32, #tpu.memory_space<vmem>>, %arg5: memref<1024x128xf32, #tpu.memory_space<vmem>>) attributes {dimension_semantics = [#tpu.dimension_semantics<arbitrary>], iteration_bounds = array<i64: 10>, scalar_prefetch = 0 : i64, scratch_operands = 0 : i64, tpu.core_type = #tpu.core_type<tc>, window_params = [{transform_indices = @transform_0, window_bounds = array<i64: 1024, 128>}, {pipeline_mode = #tpu.pipeline_mode<synchronous>, transform_indices = @transform_1, window_bounds = array<i64: 128, 128>}, {pipeline_mode = #tpu.pipeline_mode<synchronous>, transform_indices = @transform_2, window_bounds = array<i64: 1, 128>}, {transform_indices = @transform_3, window_bounds = array<i64: 32, 1024>}, {transform_indices = @transform_4, window_bounds = array<i64: 1024, 128>}]} {
    %get3A = arith.constant 0 : index
    %get3A_0 = arith.constant 0 : index
    %get3A_1 = vector.load %arg1[%get3A, %get3A_0] : memref<1024x128xf32, #tpu.memory_space<vmem>>, vector<1024x128xf32>
    %get3A_2 = arith.constant 0 : index
    %get3A_3 = arith.constant 0 : index
    %get3A_4 = vector.load %arg2[%get3A_2, %get3A_3] : memref<128x128xf32, #tpu.memory_space<vmem>>, vector<128x128xf32>
    %dot_general3A = arith.constant dense<0.000000e+00> : vector<1024x128xf32>
    %dot_general3A_5 = tpu.matmul %get3A_1, %get3A_4, %dot_general3A {dimension_numbers = #tpu.dot_dimension_numbers<[1], [0], [0], [1], [0, 0, 1, 1], [], []>, transpose_lhs_hint = false} : vector<1024x128xf32>, vector<128x128xf32>, vector<1024x128xf32> -> vector<1024x128xf32>
    %get3A_6 = arith.constant 0 : index
    %get3A_7 = arith.constant 0 : index
    %get3A_8 = vector.load %arg3[%get3A_6, %get3A_7] : memref<1x128xf32, #tpu.memory_space<vmem>>, vector<1x128xf32>
    %add3A = vector.broadcast %get3A_8 : vector<1x128xf32> to vector<1024x128xf32>
    %add3A_9 = arith.addf %dot_general3A_5, %add3A : vector<1024x128xf32>
    %iota3A = tpu.iota {dimensions = array<i32: 1>} : vector<32x1024xi32>
    %mul3A = arith.constant 1024 : i32
    %mul3A_10 = arith.muli %arg0, %mul3A : i32
    %add3A_11 = vector.broadcast %mul3A_10 : i32 to vector<32x1024xi32>
    %add3A_12 = arith.addi %iota3A, %add3A_11 : vector<32x1024xi32>
    %get3A_13 = arith.constant 0 : index
    %get3A_14 = arith.constant 0 : index
    %get3A_15 = vector.load %arg4[%get3A_13, %get3A_14] : memref<32x1024xi32, #tpu.memory_space<vmem>>, vector<32x1024xi32>
    %eq3A = arith.cmpi eq, %get3A_15, %add3A_12 : vector<32x1024xi32>
    %convert_element_type3A = arith.extui %eq3A : vector<32x1024xi1> to vector<32x1024xi32>
    %convert_element_type3A_16 = arith.sitofp %convert_element_type3A : vector<32x1024xi32> to vector<32x1024xf32>
    %broadcast_in_dim3A = arith.constant 1.000000e+00 : f32
    %broadcast_in_dim3A_17 = vector.broadcast %broadcast_in_dim3A : f32 to vector<32x1xf32>
    %dot_general3A_18 = arith.constant dense<0.000000e+00> : vector<1024x1xf32>
    %dot_general3A_19 = tpu.matmul %convert_element_type3A_16, %broadcast_in_dim3A_17, %dot_general3A_18 {dimension_numbers = #tpu.dot_dimension_numbers<[0], [0], [1], [1], [0, 1, 1, 1], [], []>, transpose_lhs_hint = false} : vector<32x1024xf32>, vector<32x1xf32>, vector<1024x1xf32> -> vector<1024x1xf32>
    %gt3A = arith.constant 0.000000e+00 : f32
    %gt3A_20 = vector.broadcast %gt3A : f32 to vector<1024x1xf32>
    %gt3A_21 = arith.cmpf ogt, %dot_general3A_19, %gt3A_20 : vector<1024x1xf32>
    %jit3A = arith.constant 1.000000e+00 : f32
    %jit3A_22 = arith.constant 5.000000e-01 : f32
    %broadcast_in_dim3A_23 = vector.broadcast %jit3A : f32 to vector<1024x1xf32>
    %broadcast_in_dim3A_24 = vector.broadcast %jit3A_22 : f32 to vector<1024x1xf32>
    %select_n3A = arith.select %gt3A_21, %broadcast_in_dim3A_23, %broadcast_in_dim3A_24 : vector<1024x1xi1>, vector<1024x1xf32>
    %mul3A_25 = vector.broadcast %select_n3A : vector<1024x1xf32> to vector<1024x128xf32>
    %mul3A_26 = arith.mulf %add3A_9, %mul3A_25 : vector<1024x128xf32>
    %swap3A = arith.constant 0 : index
    %swap3A_27 = arith.constant 0 : index
    %swap3A_28 = vector.load %arg5[%swap3A, %swap3A_27] : memref<1024x128xf32, #tpu.memory_space<vmem>>, vector<1024x128xf32>
    tpu.vector_store %arg5[%swap3A, %swap3A_27], %mul3A_26 {strides = array<i32>} : memref<1024x128xf32, #tpu.memory_space<vmem>>, vector<1024x128xf32>,
    return
  }
  func.func @transform_0(%arg0: i32) -> (i32, i32) {
    %c0_i32 = arith.constant 0 : i32
    %c0_i32_0 = arith.constant 0 : i32
    return %arg0, %c0_i32 : i32, i32
  }
  func.func @transform_1(%arg0: i32) -> (i32, i32) {
    %c0_i32 = arith.constant 0 : i32
    %c0_i32_0 = arith.constant 0 : i32
    %c0_i32_1 = arith.constant 0 : i32
    return %c0_i32, %c0_i32_0 : i32, i32
  }
  func.func @transform_2(%arg0: i32) -> (i32, i32) {
    %c0_i32 = arith.constant 0 : i32
    %c0_i32_0 = arith.constant 0 : i32
    %c0_i32_1 = arith.constant 0 : i32
    return %c0_i32, %c0_i32_0 : i32, i32
  }
  func.func @transform_3(%arg0: i32) -> (i32, i32) {
    %c0_i32 = arith.constant 0 : i32
    %c0_i32_0 = arith.constant 0 : i32
    return %c0_i32, %arg0 : i32, i32
  }
  func.func @transform_4(%arg0: i32) -> (i32, i32) {
    %c0_i32 = arith.constant 0 : i32
    %c0_i32_0 = arith.constant 0 : i32
    return %arg0, %c0_i32 : i32, i32
  }
}

</mosaic_0001>

<sc_bundles>
// kernel: kernel.4.cloned.1.call-start
scs
__scs_entry_jumppad:
0x0: {  	(pc) =	sbr.rel $0x88, $3  }
0x1: {  	(tag) =	ssettag $0x0;
	lr =	simm.s32 $0x1  }
0x2: {  	[smem:$0x3F9D] =	sst lr;
	_ =	strace $0xD0000000  }
0x3: {  	_ = 	snop  }
0x4: {  	_ = 	snop  }
0x5: {  	_ = 	snop  }
0x6: {  	_ = 	snop  }
0x7: {  	_ = 	snop  }
__scs_overlays_trampoline_lowered:
0x8: {  	[smem:$0x3FAC] =	sst s0  }
0x9: {  	[smem:$0x3FAD] =	sst s1  }
0xa: {  	[smem:$0x3FAE] =	sst s2  }
0xb: {  	[smem:$0x3FAF] =	sst s3  }
0xc: {  	[smem:$0x3FB0] =	sst s4  }
0xd: {  	[smem:$0x3FB1] =	sst s5  }
0xe: {  	[smem:$0x3FB2] =	sst s6  }
0xf: {  	[smem:$0x3FB3] =	sst s7  }
0x10: {  	[smem:$0x3FB4] =	sst s8  }
0x11: {  	[smem:$0x3FB5] =	sst s9;
	s0 =	simm.s32 @!p0 $0x0  }
0x12: {  	s1 =	sld [smem:$0x3F9B];
	s0 =	simm.s32 @p0 $0x1  }
0x13: {  	[smem:$0x3FB6] =	sst s0;
	s0 =	simm.s32 @!p1 $0x0  }
0x14: {  	s2 =	sld [smem:$0x3F9A];
	s0 =	simm.s32 @p1 $0x1  }
0x15: {  	[smem:$0x3FB7] =	sst s0;
	s0 =	simm.s32 @!p2 $0x0  }
0x16: {  	s3 =	sld [smem:$0x3FDB];
	s0 =	simm.s32 @p2 $0x1  }
0x17: {  	s4 =	simm.s32 $0x1BF5;
	[smem:$0x3FB9] =	sst s0  }
0x18: {  	s0 =	sld [smem:$0x3F9C];
	_ =	swait.ge [sflag:s4], $0x0  }
0x19: {  	s7 =	sld [smem:$0x3F9D]  }
0x1a: {  	s8 =	sadd.s32 $0xFFFFE003, lr  }
0x1b: {  	s9 =	sadd.s32 $0xFFFFFEF7, lr;
	s5 =	simm.s32 $0xFFFFFFFF;
	p2 =	slt.u32 s8, $0xFFFFF086  }
0x1c: {  	p1 =	slt.u32 s9, $0xF7A;
	s5 =	simm.s32 @!p2 $0x0  }
0x1d: {  	s5 =	simm.s32 @p1 $0x1;
	p0 =	seq.s32 s7, s2  }
0x1e: {  	s7 =	smul.u32 @!p0 $0xF7A, s2;
	p2 =	seq.s32 @!p0 s5, $0x0  }
0x1f: {  	s9 =	smul.u32 $0xF7A, s1;
	s8 =	simm.s32 @!p0 $0x1BF5;
	p2 =	por !p2, p0  }
0x20: {  	[sflag:s8] =	ssyncset.s32 @!p0 $0xFFFFF086;
	s6 =	sadd.s32 @!p0 s3, s7;
	s7 =	simm.s32 @!p0 $0x108  }
0x21: {  	s3 =	sadd.s32 s3, s9;
	s6 =	sadd.s32 @!p0 $0x88, s6;
	s7 =	simm.s32 @p2 $0x1082  }
0x22: {  	[simem:s7], [sflag:s8] =	dma.local @!p0 [hbm:s6], $0xF7A  }
0x23: {  	s9 =	sor.u32 $0xD0000000, s2;
	s6 =	simm.s32 $0x108;
	_ =	swait.ge @!p0 [sflag:s8], $0x0  }
0x24: {  	s3 =	sadd.s32 $0x88, s3;
	s6 =	simm.s32 @!p1 $0x1082;
	[sflag:s4] =	ssyncset.s32 $0xFFFFF086  }
0x25: {  	[simem:s6], [sflag:s4] =	dma.local [hbm:s3], $0xF7A  }
0x26: {  	[smem:$0x3F9D] =	sst s1;
	(tag) =	ssettag s2;
	_ =	strace s9  }
0x27: {  	s1 =	sld [smem:$0x3FAD]  }
0x28: {  	s2 =	sld [smem:$0x3FAE]  }
0x29: {  	s4 =	sld [smem:$0x3FB0]  }
0x2a: {  	p0 =	seq.s32 s5, $0x0;
	s5 =	sld [smem:$0x3FB1]  }
0x2b: {  	s6 =	sld [smem:$0x3FB2]  }
0x2c: {  	s7 =	sld [smem:$0x3FB3]  }
0x2d: {  	s3 =	simm.s32 $0x108;
	s8 =	sld [smem:$0x3FB4]  }
0x2e: {  	s3 =	simm.s32 @!p0 $0x1082;
	s9 =	sld [smem:$0x3FB5]  }
0x2f: {  	lr =	sadd.s32 s0, s3;
	s0 =	sld [smem:$0x3FAC]  }
0x30: {  	s3 =	sld [smem:$0x3FAF]  }
0x31: {  	[smem:$0x3FB8] =	sst s10  }
0x32: {  	s10 =	sld [smem:$0x3FB6];
	_ =	sdelay $0x3  }
0x33: {  	p0 =	seq.s32 s10, $0x1;
	s10 =	sld [smem:$0x3FB8];
	_ =	sdelay $0x3  }
0x34: {  	[smem:$0x3FB8] =	sst s10  }
0x35: {  	s10 =	sld [smem:$0x3FB7];
	_ =	sdelay $0x3  }
0x36: {  	p1 =	seq.s32 s10, $0x1;
	s10 =	sld [smem:$0x3FB8];
	_ =	sdelay $0x3  }
0x37: {  	[smem:$0x3FB8] =	sst s10  }
0x38: {  	s10 =	sld [smem:$0x3FB9]  }
0x39: {  	_ = 	snop;
	(pc) =	sbr.ind lr, $3  }
0x3a: {  	_ = 	snop  }
0x3b: {  	_ = 	snop  }
0x3c: {  	p2 =	seq.s32 s10, $0x1;
	s10 =	sld [smem:$0x3FB8]  }
0x3d: {  	_ =	shalt  }
0x3e: {  	_ =	shalt  }
0x3f: {  	_ =	shalt  }
0x40: {  	_ =	shalt  }
0x41: {  	_ =	shalt  }
0x42: {  	_ =	shalt  }
0x43: {  	_ =	shalt  }
0x44: {  	_ =	shalt  }
0x45: {  	_ =	shalt  }
0x46: {  	_ =	shalt  }
0x47: {  	_ =	shalt  }
0x48: {  	_ =	shalt  }
0x49: {  	_ =	shalt  }
0x4a: {  	_ =	shalt  }
0x4b: {  	_ =	shalt  }
0x4c: {  	_ =	shalt  }
0x4d: {  	_ =	shalt  }
0x4e: {  	_ =	shalt  }
0x4f: {  	_ =	shalt  }
0x50: {  	_ =	shalt  }
0x51: {  	_ =	shalt  }
0x52: {  	_ =	shalt  }
0x53: {  	_ =	shalt  }
0x54: {  	_ =	shalt  }
0x55: {  	_ =	shalt  }
0x56: {  	_ =	shalt  }
0x57: {  	_ =	shalt  }
0x58: {  	_ =	shalt  }
0x59: {  	_ =	shalt  }
0x5a: {  	_ =	shalt  }
0x5b: {  	_ =	shalt  }
0x5c: {  	_ =	shalt  }
0x5d: {  	_ =	shalt  }
0x5e: {  	_ =	shalt  }
0x5f: {  	_ =	shalt  }
0x60: {  	_ =	shalt  }
0x61: {  	_ =	shalt  }
0x62: {  	_ =	shalt  }
0x63: {  	_ =	shalt  }
0x64: {  	_ =	shalt  }
0x65: {  	_ =	shalt  }
0x66: {  	_ =	shalt  }
0x67: {  	_ =	shalt  }
0x68: {  	_ =	shalt  }
0x69: {  	_ =	shalt  }
0x6a: {  	_ =	shalt  }
0x6b: {  	_ =	shalt  }
0x6c: {  	_ =	shalt  }
0x6d: {  	_ =	shalt  }
0x6e: {  	_ =	shalt  }
0x6f: {  	_ =	shalt  }
0x70: {  	_ =	shalt  }
0x71: {  	_ =	shalt  }
0x72: {  	_ =	shalt  }
0x73: {  	_ =	shalt  }
0x74: {  	_ =	shalt  }
0x75: {  	_ =	shalt  }
0x76: {  	_ =	shalt  }
0x77: {  	_ =	shalt  }
0x78: {  	_ =	shalt  }
0x79: {  	_ =	shalt  }
0x7a: {  	_ =	shalt  }
0x7b: {  	_ =	shalt  }
0x7c: {  	_ =	shalt  }
0x7d: {  	_ =	shalt  }
0x7e: {  	_ =	shalt  }
0x7f: {  	_ =	shalt  }
0x80: {  	_ =	shalt  }
0x81: {  	_ =	shalt  }
0x82: {  	_ =	shalt  }
0x83: {  	_ =	shalt  }
0x84: {  	_ =	shalt  }
0x85: {  	_ =	shalt  }
0x86: {  	_ =	shalt  }
0x87: {  	_ =	shalt  }
.Lfunc_end0:
.L_simem_size_0:
called_computation_lowered:
.L_overlay_start_0:
0x88: {  	s2 =	sld [smem:$0x3FD9]  }
0x89: {  	s3 =	sld [smem:$0x3FFE];
	_ =	sdelay $0x1  }
0x8a: {  	s1 =	srdreg.scid  }
0x8b: {  	s0 =	sand.u32 $0x1, s1  }
0x8c: {  	s17 =	sshll.u32 s0, $0xA;
	s2 =	sadd.s32 s3, s2  }
0x8d: {  	s2 =	sadd.s32 s2, s17  }
0x8e: {  	[smem:$0x3FC4] =	sst s2  }
0x8f: {  	_ = 	snop  }
0x90: {  	s2 =	sld [smem:$0x3FD0];
	(tm) =	ssettm $0x1  }
0x91: {  	s18 =	sld [smem:$0x3FFB];
	_ =	sdelay $0x3  }
0x92: {  	_ =	strace s18  }
0x93: {  	s3 =	sld [smem:$0x3FFC];
	_ =	sdelay $0x3  }
0x94: {  	_ =	strace s3  }
0x95: {  	s3 =	sld [smem:$0x3FFD];
	_ =	sdelay $0x3  }
0x96: {  	_ =	strace s3  }
0x97: {  	_ =	strace $0x8FFFFFFF  }
0x98: {  	s19 =	sld [smem:$0x3FDB];
	_ =	sdelay $0x1  }
0x99: {  	s4 =	simm.s32 $_scs_section_size  }
0x9a: {  	s5 =	simm.s32 $_size__tile_overlayer_lowered;
	s6 =	simm.s32 $_tile_overlayer_lowered  }
0x9b: {  	s22 =	simm.s32 $0x1BFF;
	s21 =	sshll.u32 s6, $0x1;
	s3 =	sadd.s32 s4, s19  }
0x9c: {  	s7 =	simm.s32 $0x0;
	s20 =	sshll.u32 s5, $0x1;
	s5 =	sadd.s32 s21, s3  }
0x9d: {  	[timem:s7], [sflag:s22] =	dma.local [hbm:s5], s20  }
0x9e: {  	_ =	swait.ge [sflag:s22], s20  }
0x9f: {  	s4 =	ssub.s32 $0x0, s20;
	[sflag:s22] =	ssyncset.done $0x0  }
0xa0: {  	[sflag:s22] =	ssyncadd.s32 s4;
	_ =	sdelay $0x1  }
0xa1: {  	s23 =	simm.s32 $0x1B8B  }
0xa2: {  	_ =	swait.ge [sflag:s23], $0x1  }
0xa3: {  	[sflag:s23] =	ssyncset.done $0x0  }
0xa4: {  	s25 =	simm.s32 $0x1B8E;
	s24 =	sld [smem:$0x3FFE];
	[sflag:s23] =	ssyncadd.s32 $0xFFFFFFFF  }
0xa5: {  	s26 =	simm.s32 $execute0_lowered;
	[smem:$0x3FD2] =	sst s25  }
0xa6: {  	s5 =	sshll.u32 s26, $0x1;
	_ =	strace $0x80000046;
	[dreg:$0x1] =	wrdreg $0xFFFFFFFF  }
0xa7: {  	s28 =	simm.s32 $_size_execute0_lowered;
	s3 =	sadd.s32 s3, s5;
	[dreg:$0x0] =	wrdreg $0x0  }
0xa8: {  	s5 =	sshll.u32 s28, $0x1;
	[dreg:$0x2] =	wrdreg s3  }
0xa9: {  	[dreg:$0x3] =	wrdreg s5  }
0xaa: {  	[dreg:$0x4] =	wrdreg $0xC0  }
0xab: {  	_ =	task [dreg:s7], $0x5FFFF  }
0xac: {  	[dreg:$0x1] =	wrdreg $0xFFFFFFFF  }
0xad: {  	[dreg:$0x0] =	wrdreg $0x60  }
0xae: {  	[dreg:$0x2] =	wrdreg s24  }
0xaf: {  	[dreg:$0x3] =	wrdreg s2  }
0xb0: {  	[dreg:$0x4] =	wrdreg $0x9  }
0xb1: {  	_ =	task.clear_ibuf [dreg:s7], $0x5FFFF;
	_ =	strace $0x90000046  }
0xb2: {  	s29 =	simm.s32 $0x9;
	_ =	strace $0x80000048  }
0xb3: {  	_ =	swait.ge [sflag:s29], $0x1  }
0xb4: {  	[sflag:s29] =	ssyncadd.s32 $0xFFFFFFFF  }
0xb5: {  	_ =	strace $0x90000048  }
0xb6: {  	_ =	sfence  }
0xb7: {  	s30 =	sld [smem:$0x0];
	_ =	sdelay $0x2  }
0xb8: {  	s31 =	sshll.u32 s1, $0xD;
	s1 =	sshrl.u32 s1, $0x2  }
0xb9: {  	s3 =	sand.u32 $0x4000, s31;
	s1 =	sadd.s32 s1, s30  }
0xba: {  	s0 =	sor.u32 s3, s0;
	s1 =	sshll.u32 s1, $0x11  }
0xbb: {  	s0 =	sor.u32 s1, s0  }
0xbc: {  	s0 =	sadd.s32 $0x8F2B, s0  }
0xbd: {  	[sflag:s0] =	ssyncadd.remote.s32 $0x1  }
0xbe: {  	_ =	sfence.sel $0xFFFF  }
0xbf: {  	[dreg:$0x0] =	wrdreg $0xFFFFFFFF;
	(pc) =	sbr.abs _section_cstart, $3  }
0xc0: {  	[dreg:$0x1] =	wrdreg $0xFFFFFFFF  }
0xc1: {  	_ =	task.clear_ibuf [dreg:s7], $0x2FFFF;
	_ =	strace $0x9FFFFFFF  }
0xc2: {  	(tm) =	ssettm $0x7FFFFFFF  }
0xc3: {  	_ =	shalt  }
tec
execute0_lowered:
.L_overlay_start_1:
0x0: {  	(tag) =	ssettag $0x1  }
0x1: {  	s3 =	rddreg [dreg:$0x0]  }
0x2: {  	s1 =	srdreg.scid;
	s0 =	stileid.u32  }
0x3: {  	s4 =	rddreg [dreg:$0x1];
	s5 =	sand.u32 $0x1, s1;
	s2 =	sshll.u32 s0, $0x1  }
0x4: {  	s1 =	rddreg [dreg:$0x2];
	s6 =	sor.u32 s5, s2  }
0x5: {  	s2 =	simm.s32 $0x0;
	s5 =	ssub.s32 $0x2, s5;
	s7 =	smul.u32 $0x4E2, s6  }
0x6: {  	[smem:$0x7FF] =	sst s2;
	s8 =	sshrl.u32 s5, $0x1;
	s6 =	smul.u32 $0x500, s6  }
0x7: {  	_ =	strace $0x80000047;
	s5 =	ssub.s32 s5, s8;
	s8 =	simm.s32 $0x0  }
0x8: {  	s3 =	sadd.s32 s7, s3;
	s4 =	sadd.s32 s4, s6;
	s5 =	smax.u32 s5, $0x1  }
0x9: {  	v0 =	vimm.s32 $0xFFFFFFFF;
	s6 =	simm.s32 $0x1;
	s7 =	simm.s32 $0x2780;
	s3 =	sadd.s32 $0xC00, s3  }
.LBB2_1:
0xa: {  	[tilespmem:s2], [sflag:$0x1] =	stream.linear.gather [hbm4b:s3+s2], $0x2710, $0x38;
	[tilespmem:$0x4F80] =	vst v63  }
0xb: {  	_ =	swait.ge [sflag:s6], $0x2710  }
0xc: {  	[sflag:s6] =	ssyncset.done $0x0  }
0xd: {  	s9 =	simm.s32 $0x0;
	[sflag:s6] =	ssyncadd.s32 $0xFFFFD8F0  }
.LBB2_2:
0xe: {  	p0 =	sne.s32 s9, $0x9FC0  }
.Ltmp0:
0xf: {  	_ = 	snop;
	(pc) =	sbr.rel @p0 .LBB2_2-.Ltmp0, $3  }
0x10: {  	_ =	sdelay $0x1  }
0x11: {  	s10 =	sshra.s32 s9, $0x2  }
0x12: {  	s9 =	sadd.s32 $0x40, s9;
	[tilespmem:s10+$0x2780] =	vst v0  }
0x13: {  	s10 =	simm.s32 $0x0;
	s9 =	simm.s32 $0x40  }
.LBB2_4:
0x14: {  	p0 =	sne.s32 s9, $0x9C00;
	v1 =	vld [tilespmem:s10+$0x0];
	_ =	sdelay $0x3  }
.Ltmp1:
0x15: {  	(pc) =	sbr.rel @p0 .LBB2_4-.Ltmp1, $2  }
0x16: {  	_ =	sdelay $0x2  }
0x17: {  	s10 =	sshra.s32 s9, $0x2;
	s9 =	sadd.s32 $0x40, s9;
	[tilespmem:v1+s7+$0x0] =	vst.idx.msk $0xffff, v1  }
0x18: {  	v1 =	vld [tilespmem:s10+$0x0];
	_ =	sdelay $0x5  }
0x19: {  	s8 =	sadd.s32 $0x1, s8  }
0x1a: {  	p0 =	sne.s32 s8, s5  }
.Ltmp2:
0x1b: {  	[tilespmem:v1+s7+$0x0] =	vst.idx.msk $0xffff, v1;
	(pc) =	sbr.rel @p0 .LBB2_1-.Ltmp2, $4  }
0x1c: {  	[hbm4b:s4+s2] =	stream.linear.scatter [tilespmem:s7], [sflag:$0x1], $0x2800, $0x38;
	[tilespmem:$0x4F80] =	vst v63  }
0x1d: {  	_ =	swait.ge [sflag:s6], $0x2800  }
0x1e: {  	[sflag:s6] =	ssyncset.done $0x0  }
0x1f: {  	[sflag:s6] =	ssyncadd.s32 $0xFFFFD800  }
0x20: {  	_ =	sfence.sel $0x180000  }
0x21: {  	[bflag:$0x0] =	sbarrier.arrive $0xFFFF  }
0x22: {  	p0 =	sne.s32 s0, $0x0;
	_ =	strace $0x90000047  }
0x23: {  	s0 =	sadd.s32 @!p0 $0x100000, s1;
	[bflag:$0x2] =	sbarrier.arrive $0xFFFF  }
0x24: {  	[sflag:s0] =	ssyncadd.tile.s32 @!p0 $0x1;
	_ =	shalt  }
.Lfunc_end2:
_tile_overlayer_lowered:
.L_overlay_start_2:
0x25: {  	(tag) =	ssettag $0x2  }
0x26: {  	s0 =	rddreg [dreg:$0x0];
	s2 =	stileid.u32  }
0x27: {  	s1 =	rddreg [dreg:$0x1];
	p0 =	sne.s32 s2, $0x0  }
0x28: {  	s3 =	rddreg [dreg:$0x2];
	[bflag:$0x3] =	sbarrier.arrive $0xFFFF;
	s2 =	simm.s32 @!p0 $0x1C01  }
0x29: {  	[timem:s3], [sflag:s2] =	dma.local @!p0 [hbm:s0], s1  }
0x2a: {  	s0 =	simm.s32 @!p0 $0x1  }
0x2b: {  	_ =	swait.ge @!p0 [sflag:s0], s1  }
0x2c: {  	s1 =	ssub.s32 @!p0 $0x0, s1;
	[sflag:s0] =	ssyncset.done @!p0 $0x0  }
0x2d: {  	[sflag:s0] =	ssyncadd.s32 @!p0 s1  }
0x2e: {  	[bflag:$0x3] =	sbarrier.arrive $0xFFFF  }
0x2f: {  	_ =	shalt  }

</sc_bundles>
